<compile_context>
chip_gen: v7x
topology: tpu7x:2x2x1
jax: 0.10.2.dev20260603
libtpu: 0.0.44.dev20260713+nightly
codegen_flags: <defaults>
</compile_context>

<pallas_src>
import functools

import jax
import jax.numpy as jnp
from jax import lax
from jax.experimental import pallas as pl
from jax.experimental.pallas import tpu as pltpu
from jax.experimental.pallas import tpu_sc as plsc

_N_BINS = 15
_N = 500000
_C = 100
_BLOCK = 10240
_GRID = (_N + _BLOCK - 1) // _BLOCK
_NFAKE = _GRID * _BLOCK
_NW = 32
_NPAD = 512000
_PER_W = _NPAD // _NW
_VECS = _PER_W // 16


def _rowstats_body(logits_ref, labels_ref, conf_ref, acc_ref):
    x = logits_ref[...]
    m = jnp.max(x, axis=1, keepdims=True)
    s = jnp.sum(jnp.exp(x - m), axis=1, keepdims=True)
    conf_ref[...] = lax.transpose(1.0 / s, (1, 0)).reshape(1, 1, _BLOCK)
    pred = jnp.argmax(x, axis=1, keepdims=True)
    pred_row = lax.transpose(pred.astype(jnp.int32), (1, 0)).reshape(1, 1, _BLOCK)
    acc_ref[...] = (pred_row == labels_ref[...]).astype(jnp.float32)


def _rowstats(logits, labels2d):
    return pl.pallas_call(
        _rowstats_body,
        grid=(_GRID,),
        in_specs=[
            pl.BlockSpec((_BLOCK, _C), lambda i: (i, 0)),
            pl.BlockSpec((1, 1, _BLOCK), lambda i: (i, 0, 0)),
        ],
        out_specs=[
            pl.BlockSpec((1, 1, _BLOCK), lambda i: (i, 0, 0)),
            pl.BlockSpec((1, 1, _BLOCK), lambda i: (i, 0, 0)),
        ],
        out_shape=[
            jax.ShapeDtypeStruct((_GRID, 1, _BLOCK), jnp.float32),
            jax.ShapeDtypeStruct((_GRID, 1, _BLOCK), jnp.float32),
        ],
    )(logits, labels2d)


def _histogram(conf_flat, acc_flat):
    mesh = plsc.VectorSubcoreMesh(core_axis_name="c", subcore_axis_name="s")

    @functools.partial(
        pl.kernel,
        mesh=mesh,
        out_type=jax.ShapeDtypeStruct((_NW, 3, 16), jnp.float32),
        scratch_types=[
            pltpu.VMEM((_PER_W,), jnp.float32),
            pltpu.VMEM((_PER_W,), jnp.float32),
            pltpu.VMEM((256,), jnp.float32),
            pltpu.VMEM((256,), jnp.float32),
            pltpu.VMEM((256,), jnp.float32),
            pltpu.VMEM((3, 16), jnp.float32),
        ],
        compiler_params=pltpu.CompilerParams(needs_layout_passes=False),
    )
    def hist(conf_hbm, acc_hbm, out_hbm, conf_v, acc_v, cnt_a, sconf_a, sacc_a, res_v):
        wid = lax.axis_index("s") * 2 + lax.axis_index("c")
        base = wid * _PER_W
        pltpu.sync_copy(conf_hbm.at[pl.ds(base, _PER_W)], conf_v)
        pltpu.sync_copy(acc_hbm.at[pl.ds(base, _PER_W)], acc_v)

        zeros = jnp.zeros((16,), jnp.float32)
        for r in range(16):
            cnt_a[pl.ds(r * 16, 16)] = zeros
            sconf_a[pl.ds(r * 16, 16)] = zeros
            sacc_a[pl.ds(r * 16, 16)] = zeros

        lanes16 = lax.iota(jnp.int32, 16) * 16
        ones = jnp.ones((16,), jnp.float32)

        def body(i, carry):
            c = conf_v[pl.ds(i * 16, 16)]
            a = acc_v[pl.ds(i * 16, 16)]
            t = c * jnp.float32(_N_BINS)
            ti = t.astype(jnp.int32)
            b = ti - jnp.where(ti.astype(jnp.float32) == t, 1, 0)
            b = jnp.clip(b, 0, 15)
            fi = lanes16 + b
            plsc.addupdate_scatter(cnt_a, [fi], ones)
            plsc.addupdate_scatter(sconf_a, [fi], c)
            plsc.addupdate_scatter(sacc_a, [fi], a)
            return carry

        lax.fori_loop(0, _VECS, body, 0)

        cr = cnt_a[pl.ds(0, 16)]
        fr = sconf_a[pl.ds(0, 16)]
        ar = sacc_a[pl.ds(0, 16)]
        for r in range(1, 16):
            cr = cr + cnt_a[pl.ds(r * 16, 16)]
            fr = fr + sconf_a[pl.ds(r * 16, 16)]
            ar = ar + sacc_a[pl.ds(r * 16, 16)]
        res_v[0, :] = cr
        res_v[1, :] = fr
        res_v[2, :] = ar
        pltpu.sync_copy(res_v, out_hbm.at[wid])

    return hist(conf_flat, acc_flat)


def kernel(logits, labels):
    labels2d = jnp.concatenate(
        [labels, jnp.zeros((_NFAKE - _N,), jnp.int32)]).reshape(_GRID, 1, _BLOCK)
    conf, acc = _rowstats(logits, labels2d)
    pad = jnp.full((_NPAD - _N,), 1.05, jnp.float32)
    conf_flat = jnp.concatenate([conf.reshape(_NFAKE)[:_N], pad])
    acc_flat = jnp.concatenate(
        [acc.reshape(_NFAKE)[:_N], jnp.zeros((_NPAD - _N,), jnp.float32)])
    parts = jnp.sum(_histogram(conf_flat, acc_flat), axis=0)
    cnt = parts[0, :_N_BINS]
    sconf = parts[1, :_N_BINS]
    sacc = parts[2, :_N_BINS]
    safe = jnp.maximum(cnt, 1.0)
    gap = jnp.abs(sconf / safe - sacc / safe) * (cnt / _N)
    ece = jnp.sum(jnp.where(cnt > 0.0, gap, 0.0))
    return ece.reshape(1).astype(jnp.float32)

# --- scband reference (transcript-rebuilt; emitter-appended) ---
"""Pipeline reference for scband-eceloss-30734785970356 (READ-ONLY COPY).

The authoritative reference and input builder live on the scoring server;
editing this copy changes nothing except your own understanding.
"""

import jax, jax.numpy as jnp
import numpy as np

N_BINS = 15


def setup_inputs(seed: int = 0) -> dict:
    key = jax.random.key(seed)
    k1, k2 = jax.random.split(key)
    logits = jax.random.normal(k1, (500000, 100), dtype=jnp.float32)
    labels = jax.random.randint(k2, (500000,), 0, 100, dtype=jnp.int32)
    return {"logits": logits, "labels": labels}


def reference(logits, labels):
    softmaxes = jax.nn.softmax(logits, axis=-1)
    confidences = jnp.max(softmaxes, axis=-1)
    predictions = jnp.argmax(softmaxes, axis=-1)
    accuracies = (predictions == labels)
    bin_boundaries = np.linspace(0.0, 1.0, N_BINS + 1)
    n = confidences.shape[0]
    ece = jnp.zeros((1,), dtype=jnp.float32)
    for i in range(N_BINS):
        bin_lower = float(bin_boundaries[i])
        bin_upper = float(bin_boundaries[i + 1])
        in_bin = (confidences > bin_lower) & (confidences <= bin_upper)
        in_bin_f = in_bin.astype(jnp.float32)
        cnt = jnp.sum(in_bin_f)
        prop_in_bin = cnt / n
        safe_cnt = jnp.maximum(cnt, 1.0)
        accuracy_in_bin = jnp.sum(accuracies.astype(jnp.float32) * in_bin_f) / safe_cnt
        avg_confidence_in_bin = jnp.sum(confidences * in_bin_f) / safe_cnt
        gap = jnp.abs(avg_confidence_in_bin - accuracy_in_bin) * prop_in_bin
        ece = ece + jnp.where(cnt > 0, gap, 0.0)
    return ece

if __name__ == "__main__":
    import jax
    _d = setup_inputs()
    print(jax.jit(kernel)(*tuple(_d.values())))

</pallas_src>

<mosaic_0001>
#map = affine_map<(d0, d1) -> (0)>
#map1 = affine_map<(d0, d1) -> (0, 0, 0)>
module attributes {stable_mosaic.version = 14 : i64} {
  func.func @hist(%arg0: i32, %arg1: i32, %arg2: memref<512000xf32, #tpu.memory_space<hbm>>, %arg3: memref<512000xf32, #tpu.memory_space<hbm>>, %arg4: memref<32x3x16xf32, #tpu.memory_space<hbm>>, %arg5: memref<16000xf32, #tpu.memory_space<vmem>>, %arg6: memref<16000xf32, #tpu.memory_space<vmem>>, %arg7: memref<256xf32, #tpu.memory_space<vmem>>, %arg8: memref<256xf32, #tpu.memory_space<vmem>>, %arg9: memref<256xf32, #tpu.memory_space<vmem>>, %arg10: memref<3x16xf32, #tpu.memory_space<vmem>>) attributes {dimension_semantics = [#tpu.dimension_semantics<core_parallel>, #tpu.dimension_semantics<subcore_parallel>], iteration_bounds = array<i64: 2, 16>, scalar_prefetch = 0 : i64, scratch_operands = 6 : i64, tpu.core_type = #tpu.core_type<sc_vector_subcore>, window_params = [{transform_indices = #map}, {transform_indices = #map}, {transform_indices = #map1}]} {
    %mul3A = arith.constant 2 : i32
    %mul3A_0 = arith.muli %arg1, %mul3A : i32
    %add3A = arith.addi %mul3A_0, %arg0 : i32
    %mul3A_1 = arith.constant 16000 : i32
    %mul3A_2 = arith.muli %add3A, %mul3A_1 : i32
    "tpu.region"() ({
      %run_scoped3A = tpu.sem_alloc : memref<!tpu.dma_semaphore, #tpu.memory_space<semaphore_mem>>
      %dma_start3A = tpu.memref_slice %arg2[%mul3A_2] : memref<512000xf32, #tpu.memory_space<hbm>> -> memref<16000xf32, #tpu.memory_space<hbm>>
      %dma_start3A_261 = tpu.memref_slice %arg2[%mul3A_2] : memref<512000xf32, #tpu.memory_space<hbm>> -> memref<16000xf32, #tpu.memory_space<hbm>>
      tpu.enqueue_dma source(%dma_start3A_261 : memref<16000xf32, #tpu.memory_space<hbm>>) target(%arg5 : memref<16000xf32, #tpu.memory_space<vmem>>) target_semaphore(%run_scoped3A : memref<!tpu.dma_semaphore, #tpu.memory_space<semaphore_mem>>)
      %dma_wait3A = tpu.memref_slice %arg2[%mul3A_2] : memref<512000xf32, #tpu.memory_space<hbm>> -> memref<16000xf32, #tpu.memory_space<hbm>>
      %dma_wait3A_262 = tpu.memref_slice %arg2[%mul3A_2] : memref<512000xf32, #tpu.memory_space<hbm>> -> memref<16000xf32, #tpu.memory_space<hbm>>
      tpu.wait_dma2 semaphore(%run_scoped3A : memref<!tpu.dma_semaphore, #tpu.memory_space<semaphore_mem>>) src(%dma_wait3A_262 : memref<16000xf32, #tpu.memory_space<hbm>>) dst(%arg5 : memref<16000xf32, #tpu.memory_space<vmem>>)
      tpu.yield
    }) : () -> ()
    "tpu.region"() ({
      %run_scoped3A = tpu.sem_alloc : memref<!tpu.dma_semaphore, #tpu.memory_space<semaphore_mem>>
      %dma_start3A = tpu.memref_slice %arg3[%mul3A_2] : memref<512000xf32, #tpu.memory_space<hbm>> -> memref<16000xf32, #tpu.memory_space<hbm>>
      %dma_start3A_261 = tpu.memref_slice %arg3[%mul3A_2] : memref<512000xf32, #tpu.memory_space<hbm>> -> memref<16000xf32, #tpu.memory_space<hbm>>
      tpu.enqueue_dma source(%dma_start3A_261 : memref<16000xf32, #tpu.memory_space<hbm>>) target(%arg6 : memref<16000xf32, #tpu.memory_space<vmem>>) target_semaphore(%run_scoped3A : memref<!tpu.dma_semaphore, #tpu.memory_space<semaphore_mem>>)
      %dma_wait3A = tpu.memref_slice %arg3[%mul3A_2] : memref<512000xf32, #tpu.memory_space<hbm>> -> memref<16000xf32, #tpu.memory_space<hbm>>
      %dma_wait3A_262 = tpu.memref_slice %arg3[%mul3A_2] : memref<512000xf32, #tpu.memory_space<hbm>> -> memref<16000xf32, #tpu.memory_space<hbm>>
      tpu.wait_dma2 semaphore(%run_scoped3A : memref<!tpu.dma_semaphore, #tpu.memory_space<semaphore_mem>>) src(%dma_wait3A_262 : memref<16000xf32, #tpu.memory_space<hbm>>) dst(%arg6 : memref<16000xf32, #tpu.memory_space<vmem>>)
      tpu.yield
    }) : () -> ()
    %broadcast_in_dim3A = arith.constant 0.000000e+00 : f32
    %broadcast_in_dim3A_3 = vector.broadcast %broadcast_in_dim3A : f32 to vector<16xf32>
    %swap3A = arith.constant 0 : index
    %swap3A_4 = tpu.vector_load %arg7[%swap3A] {strides = array<i32>} : memref<256xf32, #tpu.memory_space<vmem>>, vector<16xf32>,
    tpu.vector_store %arg7[%swap3A], %broadcast_in_dim3A_3 {strides = array<i32>} : memref<256xf32, #tpu.memory_space<vmem>>, vector<16xf32>,
    %swap3A_5 = arith.constant 0 : index
    %swap3A_6 = tpu.vector_load %arg8[%swap3A_5] {strides = array<i32>} : memref<256xf32, #tpu.memory_space<vmem>>, vector<16xf32>,
    tpu.vector_store %arg8[%swap3A_5], %broadcast_in_dim3A_3 {strides = array<i32>} : memref<256xf32, #tpu.memory_space<vmem>>, vector<16xf32>,
    %swap3A_7 = arith.constant 0 : index
    %swap3A_8 = tpu.vector_load %arg9[%swap3A_7] {strides = array<i32>} : memref<256xf32, #tpu.memory_space<vmem>>, vector<16xf32>,
    tpu.vector_store %arg9[%swap3A_7], %broadcast_in_dim3A_3 {strides = array<i32>} : memref<256xf32, #tpu.memory_space<vmem>>, vector<16xf32>,
    %swap3A_9 = arith.constant 16 : index
    %swap3A_10 = tpu.vector_load %arg7[%swap3A_9] {strides = array<i32>} : memref<256xf32, #tpu.memory_space<vmem>>, vector<16xf32>,
    tpu.vector_store %arg7[%swap3A_9], %broadcast_in_dim3A_3 {strides = array<i32>} : memref<256xf32, #tpu.memory_space<vmem>>, vector<16xf32>,
    %swap3A_11 = arith.constant 16 : index
    %swap3A_12 = tpu.vector_load %arg8[%swap3A_11] {strides = array<i32>} : memref<256xf32, #tpu.memory_space<vmem>>, vector<16xf32>,
    tpu.vector_store %arg8[%swap3A_11], %broadcast_in_dim3A_3 {strides = array<i32>} : memref<256xf32, #tpu.memory_space<vmem>>, vector<16xf32>,
    %swap3A_13 = arith.constant 16 : index
    %swap3A_14 = tpu.vector_load %arg9[%swap3A_13] {strides = array<i32>} : memref<256xf32, #tpu.memory_space<vmem>>, vector<16xf32>,
    tpu.vector_store %arg9[%swap3A_13], %broadcast_in_dim3A_3 {strides = array<i32>} : memref<256xf32, #tpu.memory_space<vmem>>, vector<16xf32>,
    %swap3A_15 = arith.constant 32 : index
    %swap3A_16 = tpu.vector_load %arg7[%swap3A_15] {strides = array<i32>} : memref<256xf32, #tpu.memory_space<vmem>>, vector<16xf32>,
    tpu.vector_store %arg7[%swap3A_15], %broadcast_in_dim3A_3 {strides = array<i32>} : memref<256xf32, #tpu.memory_space<vmem>>, vector<16xf32>,
    %swap3A_17 = arith.constant 32 : index
    %swap3A_18 = tpu.vector_load %arg8[%swap3A_17] {strides = array<i32>} : memref<256xf32, #tpu.memory_space<vmem>>, vector<16xf32>,
    tpu.vector_store %arg8[%swap3A_17], %broadcast_in_dim3A_3 {strides = array<i32>} : memref<256xf32, #tpu.memory_space<vmem>>, vector<16xf32>,
    %swap3A_19 = arith.constant 32 : index
    %swap3A_20 = tpu.vector_load %arg9[%swap3A_19] {strides = array<i32>} : memref<256xf32, #tpu.memory_space<vmem>>, vector<16xf32>,
    tpu.vector_store %arg9[%swap3A_19], %broadcast_in_dim3A_3 {strides = array<i32>} : memref<256xf32, #tpu.memory_space<vmem>>, vector<16xf32>,
    %swap3A_21 = arith.constant 48 : index
    %swap3A_22 = tpu.vector_load %arg7[%swap3A_21] {strides = array<i32>} : memref<256xf32, #tpu.memory_space<vmem>>, vector<16xf32>,
    tpu.vector_store %arg7[%swap3A_21], %broadcast_in_dim3A_3 {strides = array<i32>} : memref<256xf32, #tpu.memory_space<vmem>>, vector<16xf32>,
    %swap3A_23 = arith.constant 48 : index
    %swap3A_24 = tpu.vector_load %arg8[%swap3A_23] {strides = array<i32>} : memref<256xf32, #tpu.memory_space<vmem>>, vector<16xf32>,
    tpu.vector_store %arg8[%swap3A_23], %broadcast_in_dim3A_3 {strides = array<i32>} : memref<256xf32, #tpu.memory_space<vmem>>, vector<16xf32>,
    %swap3A_25 = arith.constant 48 : index
    %swap3A_26 = tpu.vector_load %arg9[%swap3A_25] {strides = array<i32>} : memref<256xf32, #tpu.memory_space<vmem>>, vector<16xf32>,
    tpu.vector_store %arg9[%swap3A_25], %broadcast_in_dim3A_3 {strides = array<i32>} : memref<256xf32, #tpu.memory_space<vmem>>, vector<16xf32>,
    %swap3A_27 = arith.constant 64 : index
    %swap3A_28 = tpu.vector_load %arg7[%swap3A_27] {strides = array<i32>} : memref<256xf32, #tpu.memory_space<vmem>>, vector<16xf32>,
    tpu.vector_store %arg7[%swap3A_27], %broadcast_in_dim3A_3 {strides = array<i32>} : memref<256xf32, #tpu.memory_space<vmem>>, vector<16xf32>,
    %swap3A_29 = arith.constant 64 : index
    %swap3A_30 = tpu.vector_load %arg8[%swap3A_29] {strides = array<i32>} : memref<256xf32, #tpu.memory_space<vmem>>, vector<16xf32>,
    tpu.vector_store %arg8[%swap3A_29], %broadcast_in_dim3A_3 {strides = array<i32>} : memref<256xf32, #tpu.memory_space<vmem>>, vector<16xf32>,
    %swap3A_31 = arith.constant 64 : index
    %swap3A_32 = tpu.vector_load %arg9[%swap3A_31] {strides = array<i32>} : memref<256xf32, #tpu.memory_space<vmem>>, vector<16xf32>,
    tpu.vector_store %arg9[%swap3A_31], %broadcast_in_dim3A_3 {strides = array<i32>} : memref<256xf32, #tpu.memory_space<vmem>>, vector<16xf32>,
    %swap3A_33 = arith.constant 80 : index
    %swap3A_34 = tpu.vector_load %arg7[%swap3A_33] {strides = array<i32>} : memref<256xf32, #tpu.memory_space<vmem>>, vector<16xf32>,
    tpu.vector_store %arg7[%swap3A_33], %broadcast_in_dim3A_3 {strides = array<i32>} : memref<256xf32, #tpu.memory_space<vmem>>, vector<16xf32>,
    %swap3A_35 = arith.constant 80 : index
    %swap3A_36 = tpu.vector_load %arg8[%swap3A_35] {strides = array<i32>} : memref<256xf32, #tpu.memory_space<vmem>>, vector<16xf32>,
    tpu.vector_store %arg8[%swap3A_35], %broadcast_in_dim3A_3 {strides = array<i32>} : memref<256xf32, #tpu.memory_space<vmem>>, vector<16xf32>,
    %swap3A_37 = arith.constant 80 : index
    %swap3A_38 = tpu.vector_load %arg9[%swap3A_37] {strides = array<i32>} : memref<256xf32, #tpu.memory_space<vmem>>, vector<16xf32>,
    tpu.vector_store %arg9[%swap3A_37], %broadcast_in_dim3A_3 {strides = array<i32>} : memref<256xf32, #tpu.memory_space<vmem>>, vector<16xf32>,
    %swap3A_39 = arith.constant 96 : index
    %swap3A_40 = tpu.vector_load %arg7[%swap3A_39] {strides = array<i32>} : memref<256xf32, #tpu.memory_space<vmem>>, vector<16xf32>,
    tpu.vector_store %arg7[%swap3A_39], %broadcast_in_dim3A_3 {strides = array<i32>} : memref<256xf32, #tpu.memory_space<vmem>>, vector<16xf32>,
    %swap3A_41 = arith.constant 96 : index
    %swap3A_42 = tpu.vector_load %arg8[%swap3A_41] {strides = array<i32>} : memref<256xf32, #tpu.memory_space<vmem>>, vector<16xf32>,
    tpu.vector_store %arg8[%swap3A_41], %broadcast_in_dim3A_3 {strides = array<i32>} : memref<256xf32, #tpu.memory_space<vmem>>, vector<16xf32>,
    %swap3A_43 = arith.constant 96 : index
    %swap3A_44 = tpu.vector_load %arg9[%swap3A_43] {strides = array<i32>} : memref<256xf32, #tpu.memory_space<vmem>>, vector<16xf32>,
    tpu.vector_store %arg9[%swap3A_43], %broadcast_in_dim3A_3 {strides = array<i32>} : memref<256xf32, #tpu.memory_space<vmem>>, vector<16xf32>,
    %swap3A_45 = arith.constant 112 : index
    %swap3A_46 = tpu.vector_load %arg7[%swap3A_45] {strides = array<i32>} : memref<256xf32, #tpu.memory_space<vmem>>, vector<16xf32>,
    tpu.vector_store %arg7[%swap3A_45], %broadcast_in_dim3A_3 {strides = array<i32>} : memref<256xf32, #tpu.memory_space<vmem>>, vector<16xf32>,
    %swap3A_47 = arith.constant 112 : index
    %swap3A_48 = tpu.vector_load %arg8[%swap3A_47] {strides = array<i32>} : memref<256xf32, #tpu.memory_space<vmem>>, vector<16xf32>,
    tpu.vector_store %arg8[%swap3A_47], %broadcast_in_dim3A_3 {strides = array<i32>} : memref<256xf32, #tpu.memory_space<vmem>>, vector<16xf32>,
    %swap3A_49 = arith.constant 112 : index
    %swap3A_50 = tpu.vector_load %arg9[%swap3A_49] {strides = array<i32>} : memref<256xf32, #tpu.memory_space<vmem>>, vector<16xf32>,
    tpu.vector_store %arg9[%swap3A_49], %broadcast_in_dim3A_3 {strides = array<i32>} : memref<256xf32, #tpu.memory_space<vmem>>, vector<16xf32>,
    %swap3A_51 = arith.constant 128 : index
    %swap3A_52 = tpu.vector_load %arg7[%swap3A_51] {strides = array<i32>} : memref<256xf32, #tpu.memory_space<vmem>>, vector<16xf32>,
    tpu.vector_store %arg7[%swap3A_51], %broadcast_in_dim3A_3 {strides = array<i32>} : memref<256xf32, #tpu.memory_space<vmem>>, vector<16xf32>,
    %swap3A_53 = arith.constant 128 : index
    %swap3A_54 = tpu.vector_load %arg8[%swap3A_53] {strides = array<i32>} : memref<256xf32, #tpu.memory_space<vmem>>, vector<16xf32>,
    tpu.vector_store %arg8[%swap3A_53], %broadcast_in_dim3A_3 {strides = array<i32>} : memref<256xf32, #tpu.memory_space<vmem>>, vector<16xf32>,
    %swap3A_55 = arith.constant 128 : index
    %swap3A_56 = tpu.vector_load %arg9[%swap3A_55] {strides = array<i32>} : memref<256xf32, #tpu.memory_space<vmem>>, vector<16xf32>,
    tpu.vector_store %arg9[%swap3A_55], %broadcast_in_dim3A_3 {strides = array<i32>} : memref<256xf32, #tpu.memory_space<vmem>>, vector<16xf32>,
    %swap3A_57 = arith.constant 144 : index
    %swap3A_58 = tpu.vector_load %arg7[%swap3A_57] {strides = array<i32>} : memref<256xf32, #tpu.memory_space<vmem>>, vector<16xf32>,
    tpu.vector_store %arg7[%swap3A_57], %broadcast_in_dim3A_3 {strides = array<i32>} : memref<256xf32, #tpu.memory_space<vmem>>, vector<16xf32>,
    %swap3A_59 = arith.constant 144 : index
    %swap3A_60 = tpu.vector_load %arg8[%swap3A_59] {strides = array<i32>} : memref<256xf32, #tpu.memory_space<vmem>>, vector<16xf32>,
    tpu.vector_store %arg8[%swap3A_59], %broadcast_in_dim3A_3 {strides = array<i32>} : memref<256xf32, #tpu.memory_space<vmem>>, vector<16xf32>,
    %swap3A_61 = arith.constant 144 : index
    %swap3A_62 = tpu.vector_load %arg9[%swap3A_61] {strides = array<i32>} : memref<256xf32, #tpu.memory_space<vmem>>, vector<16xf32>,
    tpu.vector_store %arg9[%swap3A_61], %broadcast_in_dim3A_3 {strides = array<i32>} : memref<256xf32, #tpu.memory_space<vmem>>, vector<16xf32>,
    %swap3A_63 = arith.constant 160 : index
    %swap3A_64 = tpu.vector_load %arg7[%swap3A_63] {strides = array<i32>} : memref<256xf32, #tpu.memory_space<vmem>>, vector<16xf32>,
    tpu.vector_store %arg7[%swap3A_63], %broadcast_in_dim3A_3 {strides = array<i32>} : memref<256xf32, #tpu.memory_space<vmem>>, vector<16xf32>,
    %swap3A_65 = arith.constant 160 : index
    %swap3A_66 = tpu.vector_load %arg8[%swap3A_65] {strides = array<i32>} : memref<256xf32, #tpu.memory_space<vmem>>, vector<16xf32>,
    tpu.vector_store %arg8[%swap3A_65], %broadcast_in_dim3A_3 {strides = array<i32>} : memref<256xf32, #tpu.memory_space<vmem>>, vector<16xf32>,
    %swap3A_67 = arith.constant 160 : index
    %swap3A_68 = tpu.vector_load %arg9[%swap3A_67] {strides = array<i32>} : memref<256xf32, #tpu.memory_space<vmem>>, vector<16xf32>,
    tpu.vector_store %arg9[%swap3A_67], %broadcast_in_dim3A_3 {strides = array<i32>} : memref<256xf32, #tpu.memory_space<vmem>>, vector<16xf32>,
    %swap3A_69 = arith.constant 176 : index
    %swap3A_70 = tpu.vector_load %arg7[%swap3A_69] {strides = array<i32>} : memref<256xf32, #tpu.memory_space<vmem>>, vector<16xf32>,
    tpu.vector_store %arg7[%swap3A_69], %broadcast_in_dim3A_3 {strides = array<i32>} : memref<256xf32, #tpu.memory_space<vmem>>, vector<16xf32>,
    %swap3A_71 = arith.constant 176 : index
    %swap3A_72 = tpu.vector_load %arg8[%swap3A_71] {strides = array<i32>} : memref<256xf32, #tpu.memory_space<vmem>>, vector<16xf32>,
    tpu.vector_store %arg8[%swap3A_71], %broadcast_in_dim3A_3 {strides = array<i32>} : memref<256xf32, #tpu.memory_space<vmem>>, vector<16xf32>,
    %swap3A_73 = arith.constant 176 : index
    %swap3A_74 = tpu.vector_load %arg9[%swap3A_73] {strides = array<i32>} : memref<256xf32, #tpu.memory_space<vmem>>, vector<16xf32>,
    tpu.vector_store %arg9[%swap3A_73], %broadcast_in_dim3A_3 {strides = array<i32>} : memref<256xf32, #tpu.memory_space<vmem>>, vector<16xf32>,
    %swap3A_75 = arith.constant 192 : index
    %swap3A_76 = tpu.vector_load %arg7[%swap3A_75] {strides = array<i32>} : memref<256xf32, #tpu.memory_space<vmem>>, vector<16xf32>,
    tpu.vector_store %arg7[%swap3A_75], %broadcast_in_dim3A_3 {strides = array<i32>} : memref<256xf32, #tpu.memory_space<vmem>>, vector<16xf32>,
    %swap3A_77 = arith.constant 192 : index
    %swap3A_78 = tpu.vector_load %arg8[%swap3A_77] {strides = array<i32>} : memref<256xf32, #tpu.memory_space<vmem>>, vector<16xf32>,
    tpu.vector_store %arg8[%swap3A_77], %broadcast_in_dim3A_3 {strides = array<i32>} : memref<256xf32, #tpu.memory_space<vmem>>, vector<16xf32>,
    %swap3A_79 = arith.constant 192 : index
    %swap3A_80 = tpu.vector_load %arg9[%swap3A_79] {strides = array<i32>} : memref<256xf32, #tpu.memory_space<vmem>>, vector<16xf32>,
    tpu.vector_store %arg9[%swap3A_79], %broadcast_in_dim3A_3 {strides = array<i32>} : memref<256xf32, #tpu.memory_space<vmem>>, vector<16xf32>,
    %swap3A_81 = arith.constant 208 : index
    %swap3A_82 = tpu.vector_load %arg7[%swap3A_81] {strides = array<i32>} : memref<256xf32, #tpu.memory_space<vmem>>, vector<16xf32>,
    tpu.vector_store %arg7[%swap3A_81], %broadcast_in_dim3A_3 {strides = array<i32>} : memref<256xf32, #tpu.memory_space<vmem>>, vector<16xf32>,
    %swap3A_83 = arith.constant 208 : index
    %swap3A_84 = tpu.vector_load %arg8[%swap3A_83] {strides = array<i32>} : memref<256xf32, #tpu.memory_space<vmem>>, vector<16xf32>,
    tpu.vector_store %arg8[%swap3A_83], %broadcast_in_dim3A_3 {strides = array<i32>} : memref<256xf32, #tpu.memory_space<vmem>>, vector<16xf32>,
    %swap3A_85 = arith.constant 208 : index
    %swap3A_86 = tpu.vector_load %arg9[%swap3A_85] {strides = array<i32>} : memref<256xf32, #tpu.memory_space<vmem>>, vector<16xf32>,
    tpu.vector_store %arg9[%swap3A_85], %broadcast_in_dim3A_3 {strides = array<i32>} : memref<256xf32, #tpu.memory_space<vmem>>, vector<16xf32>,
    %swap3A_87 = arith.constant 224 : index
    %swap3A_88 = tpu.vector_load %arg7[%swap3A_87] {strides = array<i32>} : memref<256xf32, #tpu.memory_space<vmem>>, vector<16xf32>,
    tpu.vector_store %arg7[%swap3A_87], %broadcast_in_dim3A_3 {strides = array<i32>} : memref<256xf32, #tpu.memory_space<vmem>>, vector<16xf32>,
    %swap3A_89 = arith.constant 224 : index
    %swap3A_90 = tpu.vector_load %arg8[%swap3A_89] {strides = array<i32>} : memref<256xf32, #tpu.memory_space<vmem>>, vector<16xf32>,
    tpu.vector_store %arg8[%swap3A_89], %broadcast_in_dim3A_3 {strides = array<i32>} : memref<256xf32, #tpu.memory_space<vmem>>, vector<16xf32>,
    %swap3A_91 = arith.constant 224 : index
    %swap3A_92 = tpu.vector_load %arg9[%swap3A_91] {strides = array<i32>} : memref<256xf32, #tpu.memory_space<vmem>>, vector<16xf32>,
    tpu.vector_store %arg9[%swap3A_91], %broadcast_in_dim3A_3 {strides = array<i32>} : memref<256xf32, #tpu.memory_space<vmem>>, vector<16xf32>,
    %swap3A_93 = arith.constant 240 : index
    %swap3A_94 = tpu.vector_load %arg7[%swap3A_93] {strides = array<i32>} : memref<256xf32, #tpu.memory_space<vmem>>, vector<16xf32>,
    tpu.vector_store %arg7[%swap3A_93], %broadcast_in_dim3A_3 {strides = array<i32>} : memref<256xf32, #tpu.memory_space<vmem>>, vector<16xf32>,
    %swap3A_95 = arith.constant 240 : index
    %swap3A_96 = tpu.vector_load %arg8[%swap3A_95] {strides = array<i32>} : memref<256xf32, #tpu.memory_space<vmem>>, vector<16xf32>,
    tpu.vector_store %arg8[%swap3A_95], %broadcast_in_dim3A_3 {strides = array<i32>} : memref<256xf32, #tpu.memory_space<vmem>>, vector<16xf32>,
    %swap3A_97 = arith.constant 240 : index
    %swap3A_98 = tpu.vector_load %arg9[%swap3A_97] {strides = array<i32>} : memref<256xf32, #tpu.memory_space<vmem>>, vector<16xf32>,
    tpu.vector_store %arg9[%swap3A_97], %broadcast_in_dim3A_3 {strides = array<i32>} : memref<256xf32, #tpu.memory_space<vmem>>, vector<16xf32>,
    %iota3A = tpu.iota {dimensions = array<i32: 0>} : vector<16xi32>
    %mul3A_99 = arith.constant 16 : i32
    %mul3A_100 = vector.broadcast %mul3A_99 : i32 to vector<16xi32>
    %mul3A_101 = arith.muli %iota3A, %mul3A_100 : vector<16xi32>
    %broadcast_in_dim3A_102 = arith.constant 1.000000e+00 : f32
    %broadcast_in_dim3A_103 = vector.broadcast %broadcast_in_dim3A_102 : f32 to vector<16xf32>
    %scan3A = arith.constant 0 : i32
    %scan3A_104 = arith.constant 0 : i32
    %scan3A_105 = arith.constant 1000 : i32
    %scan3A_106 = arith.addi %scan3A_104, %scan3A_105 : i32
    %scan3A_107 = arith.constant 1 : i32
    scf.for %scan3A_261 = %scan3A_104 to %scan3A_106 step %scan3A_107  : i32 {
      %mul3A_262 = arith.constant 16 : i32
      %mul3A_263 = arith.muli %scan3A_261, %mul3A_262 : i32
      %get3A_264 = arith.index_cast %mul3A_263 : i32 to index
      %get3A_265 = tpu.vector_load %arg5[%get3A_264] {strides = array<i32>} : memref<16000xf32, #tpu.memory_space<vmem>>, vector<16xf32>,
      %mul3A_266 = arith.constant 16 : i32
      %mul3A_267 = arith.muli %scan3A_261, %mul3A_266 : i32
      %get3A_268 = arith.index_cast %mul3A_267 : i32 to index
      %get3A_269 = tpu.vector_load %arg6[%get3A_268] {strides = array<i32>} : memref<16000xf32, #tpu.memory_space<vmem>>, vector<16xf32>,
      %mul3A_270 = arith.constant 1.500000e+01 : f32
      %mul3A_271 = vector.broadcast %mul3A_270 : f32 to vector<16xf32>
      %mul3A_272 = arith.mulf %get3A_265, %mul3A_271 : vector<16xf32>
      %convert_element_type3A = arith.fptosi %mul3A_272 : vector<16xf32> to vector<16xi32>
      %convert_element_type3A_273 = arith.sitofp %convert_element_type3A : vector<16xi32> to vector<16xf32>
      %eq3A = arith.cmpf oeq, %convert_element_type3A_273, %mul3A_272 : vector<16xf32>
      %jit3A = arith.constant 1 : i32
      %jit3A_274 = arith.constant 0 : i32
      %broadcast_in_dim3A_275 = vector.broadcast %jit3A : i32 to vector<16xi32>
      %broadcast_in_dim3A_276 = vector.broadcast %jit3A_274 : i32 to vector<16xi32>
      %select_n3A = arith.select %eq3A, %broadcast_in_dim3A_275, %broadcast_in_dim3A_276 : vector<16xi1>, vector<16xi32>
      %sub3A = arith.subi %convert_element_type3A, %select_n3A : vector<16xi32>
      %jit3A_277 = arith.constant 0 : i32
      %jit3A_278 = arith.constant 15 : i32
      %max3A = vector.broadcast %jit3A_277 : i32 to vector<16xi32>
      %max3A_279 = arith.maxsi %max3A, %sub3A : vector<16xi32>
      %min3A = vector.broadcast %jit3A_278 : i32 to vector<16xi32>
      %min3A_280 = arith.minsi %min3A, %max3A_279 : vector<16xi32>
      %add3A_281 = arith.addi %mul3A_101, %min3A_280 : vector<16xi32>
      tpu.vector_store_idx %arg7[%add3A_281], %broadcast_in_dim3A_103 {add = true} : memref<256xf32, #tpu.memory_space<vmem>>[vector<16xi32>], vector<16xf32>,
      tpu.vector_store_idx %arg8[%add3A_281], %get3A_265 {add = true} : memref<256xf32, #tpu.memory_space<vmem>>[vector<16xi32>], vector<16xf32>,
      tpu.vector_store_idx %arg9[%add3A_281], %get3A_269 {add = true} : memref<256xf32, #tpu.memory_space<vmem>>[vector<16xi32>], vector<16xf32>,
    }
    %scan3A_108 = arith.constant 1000 : i32
    %get3A = arith.constant 0 : index
    %get3A_109 = tpu.vector_load %arg7[%get3A] {strides = array<i32>} : memref<256xf32, #tpu.memory_space<vmem>>, vector<16xf32>,
    %get3A_110 = arith.constant 0 : index
    %get3A_111 = tpu.vector_load %arg8[%get3A_110] {strides = array<i32>} : memref<256xf32, #tpu.memory_space<vmem>>, vector<16xf32>,
    %get3A_112 = arith.constant 0 : index
    %get3A_113 = tpu.vector_load %arg9[%get3A_112] {strides = array<i32>} : memref<256xf32, #tpu.memory_space<vmem>>, vector<16xf32>,
    %get3A_114 = arith.constant 16 : index
    %get3A_115 = tpu.vector_load %arg7[%get3A_114] {strides = array<i32>} : memref<256xf32, #tpu.memory_space<vmem>>, vector<16xf32>,
    %add3A_116 = arith.addf %get3A_109, %get3A_115 : vector<16xf32>
    %get3A_117 = arith.constant 16 : index
    %get3A_118 = tpu.vector_load %arg8[%get3A_117] {strides = array<i32>} : memref<256xf32, #tpu.memory_space<vmem>>, vector<16xf32>,
    %add3A_119 = arith.addf %get3A_111, %get3A_118 : vector<16xf32>
    %get3A_120 = arith.constant 16 : index
    %get3A_121 = tpu.vector_load %arg9[%get3A_120] {strides = array<i32>} : memref<256xf32, #tpu.memory_space<vmem>>, vector<16xf32>,
    %add3A_122 = arith.addf %get3A_113, %get3A_121 : vector<16xf32>
    %get3A_123 = arith.constant 32 : index
    %get3A_124 = tpu.vector_load %arg7[%get3A_123] {strides = array<i32>} : memref<256xf32, #tpu.memory_space<vmem>>, vector<16xf32>,
    %add3A_125 = arith.addf %add3A_116, %get3A_124 : vector<16xf32>
    %get3A_126 = arith.constant 32 : index
    %get3A_127 = tpu.vector_load %arg8[%get3A_126] {strides = array<i32>} : memref<256xf32, #tpu.memory_space<vmem>>, vector<16xf32>,
    %add3A_128 = arith.addf %add3A_119, %get3A_127 : vector<16xf32>
    %get3A_129 = arith.constant 32 : index
    %get3A_130 = tpu.vector_load %arg9[%get3A_129] {strides = array<i32>} : memref<256xf32, #tpu.memory_space<vmem>>, vector<16xf32>,
    %add3A_131 = arith.addf %add3A_122, %get3A_130 : vector<16xf32>
    %get3A_132 = arith.constant 48 : index
    %get3A_133 = tpu.vector_load %arg7[%get3A_132] {strides = array<i32>} : memref<256xf32, #tpu.memory_space<vmem>>, vector<16xf32>,
    %add3A_134 = arith.addf %add3A_125, %get3A_133 : vector<16xf32>
    %get3A_135 = arith.constant 48 : index
    %get3A_136 = tpu.vector_load %arg8[%get3A_135] {strides = array<i32>} : memref<256xf32, #tpu.memory_space<vmem>>, vector<16xf32>,
    %add3A_137 = arith.addf %add3A_128, %get3A_136 : vector<16xf32>
    %get3A_138 = arith.constant 48 : index
    %get3A_139 = tpu.vector_load %arg9[%get3A_138] {strides = array<i32>} : memref<256xf32, #tpu.memory_space<vmem>>, vector<16xf32>,
    %add3A_140 = arith.addf %add3A_131, %get3A_139 : vector<16xf32>
    %get3A_141 = arith.constant 64 : index
    %get3A_142 = tpu.vector_load %arg7[%get3A_141] {strides = array<i32>} : memref<256xf32, #tpu.memory_space<vmem>>, vector<16xf32>,
    %add3A_143 = arith.addf %add3A_134, %get3A_142 : vector<16xf32>
    %get3A_144 = arith.constant 64 : index
    %get3A_145 = tpu.vector_load %arg8[%get3A_144] {strides = array<i32>} : memref<256xf32, #tpu.memory_space<vmem>>, vector<16xf32>,
    %add3A_146 = arith.addf %add3A_137, %get3A_145 : vector<16xf32>
    %get3A_147 = arith.constant 64 : index
    %get3A_148 = tpu.vector_load %arg9[%get3A_147] {strides = array<i32>} : memref<256xf32, #tpu.memory_space<vmem>>, vector<16xf32>,
    %add3A_149 = arith.addf %add3A_140, %get3A_148 : vector<16xf32>
    %get3A_150 = arith.constant 80 : index
    %get3A_151 = tpu.vector_load %arg7[%get3A_150] {strides = array<i32>} : memref<256xf32, #tpu.memory_space<vmem>>, vector<16xf32>,
    %add3A_152 = arith.addf %add3A_143, %get3A_151 : vector<16xf32>
    %get3A_153 = arith.constant 80 : index
    %get3A_154 = tpu.vector_load %arg8[%get3A_153] {strides = array<i32>} : memref<256xf32, #tpu.memory_space<vmem>>, vector<16xf32>,
    %add3A_155 = arith.addf %add3A_146, %get3A_154 : vector<16xf32>
    %get3A_156 = arith.constant 80 : index
    %get3A_157 = tpu.vector_load %arg9[%get3A_156] {strides = array<i32>} : memref<256xf32, #tpu.memory_space<vmem>>, vector<16xf32>,
    %add3A_158 = arith.addf %add3A_149, %get3A_157 : vector<16xf32>
    %get3A_159 = arith.constant 96 : index
    %get3A_160 = tpu.vector_load %arg7[%get3A_159] {strides = array<i32>} : memref<256xf32, #tpu.memory_space<vmem>>, vector<16xf32>,
    %add3A_161 = arith.addf %add3A_152, %get3A_160 : vector<16xf32>
    %get3A_162 = arith.constant 96 : index
    %get3A_163 = tpu.vector_load %arg8[%get3A_162] {strides = array<i32>} : memref<256xf32, #tpu.memory_space<vmem>>, vector<16xf32>,
    %add3A_164 = arith.addf %add3A_155, %get3A_163 : vector<16xf32>
    %get3A_165 = arith.constant 96 : index
    %get3A_166 = tpu.vector_load %arg9[%get3A_165] {strides = array<i32>} : memref<256xf32, #tpu.memory_space<vmem>>, vector<16xf32>,
    %add3A_167 = arith.addf %add3A_158, %get3A_166 : vector<16xf32>
    %get3A_168 = arith.constant 112 : index
    %get3A_169 = tpu.vector_load %arg7[%get3A_168] {strides = array<i32>} : memref<256xf32, #tpu.memory_space<vmem>>, vector<16xf32>,
    %add3A_170 = arith.addf %add3A_161, %get3A_169 : vector<16xf32>
    %get3A_171 = arith.constant 112 : index
    %get3A_172 = tpu.vector_load %arg8[%get3A_171] {strides = array<i32>} : memref<256xf32, #tpu.memory_space<vmem>>, vector<16xf32>,
    %add3A_173 = arith.addf %add3A_164, %get3A_172 : vector<16xf32>
    %get3A_174 = arith.constant 112 : index
    %get3A_175 = tpu.vector_load %arg9[%get3A_174] {strides = array<i32>} : memref<256xf32, #tpu.memory_space<vmem>>, vector<16xf32>,
    %add3A_176 = arith.addf %add3A_167, %get3A_175 : vector<16xf32>
    %get3A_177 = arith.constant 128 : index
    %get3A_178 = tpu.vector_load %arg7[%get3A_177] {strides = array<i32>} : memref<256xf32, #tpu.memory_space<vmem>>, vector<16xf32>,
    %add3A_179 = arith.addf %add3A_170, %get3A_178 : vector<16xf32>
    %get3A_180 = arith.constant 128 : index
    %get3A_181 = tpu.vector_load %arg8[%get3A_180] {strides = array<i32>} : memref<256xf32, #tpu.memory_space<vmem>>, vector<16xf32>,
    %add3A_182 = arith.addf %add3A_173, %get3A_181 : vector<16xf32>
    %get3A_183 = arith.constant 128 : index
    %get3A_184 = tpu.vector_load %arg9[%get3A_183] {strides = array<i32>} : memref<256xf32, #tpu.memory_space<vmem>>, vector<16xf32>,
    %add3A_185 = arith.addf %add3A_176, %get3A_184 : vector<16xf32>
    %get3A_186 = arith.constant 144 : index
    %get3A_187 = tpu.vector_load %arg7[%get3A_186] {strides = array<i32>} : memref<256xf32, #tpu.memory_space<vmem>>, vector<16xf32>,
    %add3A_188 = arith.addf %add3A_179, %get3A_187 : vector<16xf32>
    %get3A_189 = arith.constant 144 : index
    %get3A_190 = tpu.vector_load %arg8[%get3A_189] {strides = array<i32>} : memref<256xf32, #tpu.memory_space<vmem>>, vector<16xf32>,
    %add3A_191 = arith.addf %add3A_182, %get3A_190 : vector<16xf32>
    %get3A_192 = arith.constant 144 : index
    %get3A_193 = tpu.vector_load %arg9[%get3A_192] {strides = array<i32>} : memref<256xf32, #tpu.memory_space<vmem>>, vector<16xf32>,
    %add3A_194 = arith.addf %add3A_185, %get3A_193 : vector<16xf32>
    %get3A_195 = arith.constant 160 : index
    %get3A_196 = tpu.vector_load %arg7[%get3A_195] {strides = array<i32>} : memref<256xf32, #tpu.memory_space<vmem>>, vector<16xf32>,
    %add3A_197 = arith.addf %add3A_188, %get3A_196 : vector<16xf32>
    %get3A_198 = arith.constant 160 : index
    %get3A_199 = tpu.vector_load %arg8[%get3A_198] {strides = array<i32>} : memref<256xf32, #tpu.memory_space<vmem>>, vector<16xf32>,
    %add3A_200 = arith.addf %add3A_191, %get3A_199 : vector<16xf32>
    %get3A_201 = arith.constant 160 : index
    %get3A_202 = tpu.vector_load %arg9[%get3A_201] {strides = array<i32>} : memref<256xf32, #tpu.memory_space<vmem>>, vector<16xf32>,
    %add3A_203 = arith.addf %add3A_194, %get3A_202 : vector<16xf32>
    %get3A_204 = arith.constant 176 : index
    %get3A_205 = tpu.vector_load %arg7[%get3A_204] {strides = array<i32>} : memref<256xf32, #tpu.memory_space<vmem>>, vector<16xf32>,
    %add3A_206 = arith.addf %add3A_197, %get3A_205 : vector<16xf32>
    %get3A_207 = arith.constant 176 : index
    %get3A_208 = tpu.vector_load %arg8[%get3A_207] {strides = array<i32>} : memref<256xf32, #tpu.memory_space<vmem>>, vector<16xf32>,
    %add3A_209 = arith.addf %add3A_200, %get3A_208 : vector<16xf32>
    %get3A_210 = arith.constant 176 : index
    %get3A_211 = tpu.vector_load %arg9[%get3A_210] {strides = array<i32>} : memref<256xf32, #tpu.memory_space<vmem>>, vector<16xf32>,
    %add3A_212 = arith.addf %add3A_203, %get3A_211 : vector<16xf32>
    %get3A_213 = arith.constant 192 : index
    %get3A_214 = tpu.vector_load %arg7[%get3A_213] {strides = array<i32>} : memref<256xf32, #tpu.memory_space<vmem>>, vector<16xf32>,
    %add3A_215 = arith.addf %add3A_206, %get3A_214 : vector<16xf32>
    %get3A_216 = arith.constant 192 : index
    %get3A_217 = tpu.vector_load %arg8[%get3A_216] {strides = array<i32>} : memref<256xf32, #tpu.memory_space<vmem>>, vector<16xf32>,
    %add3A_218 = arith.addf %add3A_209, %get3A_217 : vector<16xf32>
    %get3A_219 = arith.constant 192 : index
    %get3A_220 = tpu.vector_load %arg9[%get3A_219] {strides = array<i32>} : memref<256xf32, #tpu.memory_space<vmem>>, vector<16xf32>,
    %add3A_221 = arith.addf %add3A_212, %get3A_220 : vector<16xf32>
    %get3A_222 = arith.constant 208 : index
    %get3A_223 = tpu.vector_load %arg7[%get3A_222] {strides = array<i32>} : memref<256xf32, #tpu.memory_space<vmem>>, vector<16xf32>,
    %add3A_224 = arith.addf %add3A_215, %get3A_223 : vector<16xf32>
    %get3A_225 = arith.constant 208 : index
    %get3A_226 = tpu.vector_load %arg8[%get3A_225] {strides = array<i32>} : memref<256xf32, #tpu.memory_space<vmem>>, vector<16xf32>,
    %add3A_227 = arith.addf %add3A_218, %get3A_226 : vector<16xf32>
    %get3A_228 = arith.constant 208 : index
    %get3A_229 = tpu.vector_load %arg9[%get3A_228] {strides = array<i32>} : memref<256xf32, #tpu.memory_space<vmem>>, vector<16xf32>,
    %add3A_230 = arith.addf %add3A_221, %get3A_229 : vector<16xf32>
    %get3A_231 = arith.constant 224 : index
    %get3A_232 = tpu.vector_load %arg7[%get3A_231] {strides = array<i32>} : memref<256xf32, #tpu.memory_space<vmem>>, vector<16xf32>,
    %add3A_233 = arith.addf %add3A_224, %get3A_232 : vector<16xf32>
    %get3A_234 = arith.constant 224 : index
    %get3A_235 = tpu.vector_load %arg8[%get3A_234] {strides = array<i32>} : memref<256xf32, #tpu.memory_space<vmem>>, vector<16xf32>,
    %add3A_236 = arith.addf %add3A_227, %get3A_235 : vector<16xf32>
    %get3A_237 = arith.constant 224 : index
    %get3A_238 = tpu.vector_load %arg9[%get3A_237] {strides = array<i32>} : memref<256xf32, #tpu.memory_space<vmem>>, vector<16xf32>,
    %add3A_239 = arith.addf %add3A_230, %get3A_238 : vector<16xf32>
    %get3A_240 = arith.constant 240 : index
    %get3A_241 = tpu.vector_load %arg7[%get3A_240] {strides = array<i32>} : memref<256xf32, #tpu.memory_space<vmem>>, vector<16xf32>,
    %add3A_242 = arith.addf %add3A_233, %get3A_241 : vector<16xf32>
    %get3A_243 = arith.constant 240 : index
    %get3A_244 = tpu.vector_load %arg8[%get3A_243] {strides = array<i32>} : memref<256xf32, #tpu.memory_space<vmem>>, vector<16xf32>,
    %add3A_245 = arith.addf %add3A_236, %get3A_244 : vector<16xf32>
    %get3A_246 = arith.constant 240 : index
    %get3A_247 = tpu.vector_load %arg9[%get3A_246] {strides = array<i32>} : memref<256xf32, #tpu.memory_space<vmem>>, vector<16xf32>,
    %add3A_248 = arith.addf %add3A_239, %get3A_247 : vector<16xf32>
    %swap3A_249 = arith.constant 0 : i32
    %swap3A_250 = arith.index_cast %swap3A_249 : i32 to index
    %swap3A_251 = arith.constant 0 : index
    %swap3A_252 = tpu.vector_load %arg10[%swap3A_250, %swap3A_251] {strides = array<i32>} : memref<3x16xf32, #tpu.memory_space<vmem>>, vector<16xf32>,
    tpu.vector_store %arg10[%swap3A_250, %swap3A_251], %add3A_242 {strides = array<i32>} : memref<3x16xf32, #tpu.memory_space<vmem>>, vector<16xf32>,
    %swap3A_253 = arith.constant 1 : i32
    %swap3A_254 = arith.index_cast %swap3A_253 : i32 to index
    %swap3A_255 = arith.constant 0 : index
    %swap3A_256 = tpu.vector_load %arg10[%swap3A_254, %swap3A_255] {strides = array<i32>} : memref<3x16xf32, #tpu.memory_space<vmem>>, vector<16xf32>,
    tpu.vector_store %arg10[%swap3A_254, %swap3A_255], %add3A_245 {strides = array<i32>} : memref<3x16xf32, #tpu.memory_space<vmem>>, vector<16xf32>,
    %swap3A_257 = arith.constant 2 : i32
    %swap3A_258 = arith.index_cast %swap3A_257 : i32 to index
    %swap3A_259 = arith.constant 0 : index
    %swap3A_260 = tpu.vector_load %arg10[%swap3A_258, %swap3A_259] {strides = array<i32>} : memref<3x16xf32, #tpu.memory_space<vmem>>, vector<16xf32>,
    tpu.vector_store %arg10[%swap3A_258, %swap3A_259], %add3A_248 {strides = array<i32>} : memref<3x16xf32, #tpu.memory_space<vmem>>, vector<16xf32>,
    "tpu.region"() ({
      %run_scoped3A = tpu.sem_alloc : memref<!tpu.dma_semaphore, #tpu.memory_space<semaphore_mem>>
      %dma_start3A = arith.constant 0 : i32
      %dma_start3A_261 = arith.constant 0 : i32
      %dma_start3A_262 = tpu.memref_slice %arg4[%add3A, %dma_start3A, %dma_start3A_261] : memref<32x3x16xf32, #tpu.memory_space<hbm>> -> memref<1x3x16xf32, #tpu.memory_space<hbm>>
      %dma_start3A_263 = tpu.memref_squeeze %dma_start3A_262 : memref<1x3x16xf32, #tpu.memory_space<hbm>> -> memref<3x16xf32, #tpu.memory_space<hbm>>
      %dma_start3A_264 = arith.constant 0 : i32
      %dma_start3A_265 = arith.constant 0 : i32
      %dma_start3A_266 = tpu.memref_slice %arg4[%add3A, %dma_start3A_264, %dma_start3A_265] : memref<32x3x16xf32, #tpu.memory_space<hbm>> -> memref<1x3x16xf32, #tpu.memory_space<hbm>>
      %dma_start3A_267 = tpu.memref_squeeze %dma_start3A_266 : memref<1x3x16xf32, #tpu.memory_space<hbm>> -> memref<3x16xf32, #tpu.memory_space<hbm>>
      tpu.enqueue_dma source(%arg10 : memref<3x16xf32, #tpu.memory_space<vmem>>) target(%dma_start3A_267 : memref<3x16xf32, #tpu.memory_space<hbm>>) target_semaphore(%run_scoped3A : memref<!tpu.dma_semaphore, #tpu.memory_space<semaphore_mem>>)
      %dma_wait3A = arith.constant 0 : i32
      %dma_wait3A_268 = arith.constant 0 : i32
      %dma_wait3A_269 = tpu.memref_slice %arg4[%add3A, %dma_wait3A, %dma_wait3A_268] : memref<32x3x16xf32, #tpu.memory_space<hbm>> -> memref<1x3x16xf32, #tpu.memory_space<hbm>>
      %dma_wait3A_270 = tpu.memref_squeeze %dma_wait3A_269 : memref<1x3x16xf32, #tpu.memory_space<hbm>> -> memref<3x16xf32, #tpu.memory_space<hbm>>
      %dma_wait3A_271 = arith.constant 0 : i32
      %dma_wait3A_272 = arith.constant 0 : i32
      %dma_wait3A_273 = tpu.memref_slice %arg4[%add3A, %dma_wait3A_271, %dma_wait3A_272] : memref<32x3x16xf32, #tpu.memory_space<hbm>> -> memref<1x3x16xf32, #tpu.memory_space<hbm>>
      %dma_wait3A_274 = tpu.memref_squeeze %dma_wait3A_273 : memref<1x3x16xf32, #tpu.memory_space<hbm>> -> memref<3x16xf32, #tpu.memory_space<hbm>>
      tpu.wait_dma2 semaphore(%run_scoped3A : memref<!tpu.dma_semaphore, #tpu.memory_space<semaphore_mem>>) src(%arg10 : memref<3x16xf32, #tpu.memory_space<vmem>>) dst(%dma_wait3A_274 : memref<3x16xf32, #tpu.memory_space<hbm>>)
      tpu.yield
    }) : () -> ()
    return
  }
}

module attributes {stable_mosaic.version = 14 : i64} {
  func.func @_rowstats_body(%arg0: i32, %arg1: memref<10240x100xf32, #tpu.memory_space<vmem>>, %arg2: memref<1x1x10240xi32, #tpu.memory_space<vmem>>, %arg3: memref<1x1x10240xf32, #tpu.memory_space<vmem>>, %arg4: memref<1x1x10240xf32, #tpu.memory_space<vmem>>) attributes {dimension_semantics = [#tpu.dimension_semantics<arbitrary>], iteration_bounds = array<i64: 49>, scalar_prefetch = 0 : i64, scratch_operands = 0 : i64, tpu.core_type = #tpu.core_type<tc>, window_params = [{transform_indices = @transform_0, window_bounds = array<i64: 10240, 100>}, {transform_indices = @transform_1, window_bounds = array<i64: 1, 1, 10240>}, {transform_indices = @transform_2, window_bounds = array<i64: 1, 1, 10240>}, {transform_indices = @transform_3, window_bounds = array<i64: 1, 1, 10240>}]} {
    %get3A = arith.constant 0 : index
    %get3A_0 = arith.constant 0 : index
    %get3A_1 = vector.load %arg1[%get3A, %get3A_0] : memref<10240x100xf32, #tpu.memory_space<vmem>>, vector<10240x100xf32>
    %reduce_max3A = arith.constant dense<0xFF800000> : vector<10240xf32>
    %reduce_max3A_2 = vector.multi_reduction <maximumf>, %get3A_1, %reduce_max3A [1] : vector<10240x100xf32> to vector<10240xf32>
    %broadcast_in_dim3A = vector.shape_cast %reduce_max3A_2 : vector<10240xf32> to vector<10240x1xf32>
    %sub3A = vector.broadcast %broadcast_in_dim3A : vector<10240x1xf32> to vector<10240x100xf32>
    %sub3A_3 = arith.subf %get3A_1, %sub3A : vector<10240x100xf32>
    %exp3A = math.exp %sub3A_3 : vector<10240x100xf32>
    %reduce_sum3A = arith.constant dense<0.000000e+00> : vector<10240xf32>
    %reduce_sum3A_4 = vector.multi_reduction <add>, %exp3A, %reduce_sum3A [1] : vector<10240x100xf32> to vector<10240xf32>
    %broadcast_in_dim3A_5 = vector.shape_cast %reduce_sum3A_4 : vector<10240xf32> to vector<10240x1xf32>
    %div3A = arith.constant 1.000000e+00 : f32
    %div3A_6 = vector.broadcast %div3A : f32 to vector<10240x1xf32>
    %div3A_7 = arith.divf %div3A_6, %broadcast_in_dim3A_5 : vector<10240x1xf32>
    %transpose3A = tpu.transpose %div3A_7, [1, 0] : vector<10240x1xf32> -> vector<1x10240xf32>
    %reshape3A = vector.shape_cast %transpose3A : vector<1x10240xf32> to vector<1x1x10240xf32>
    %swap3A = arith.constant 0 : index
    %swap3A_8 = arith.constant 0 : index
    %swap3A_9 = arith.constant 0 : index
    %swap3A_10 = vector.load %arg3[%swap3A, %swap3A_8, %swap3A_9] : memref<1x1x10240xf32, #tpu.memory_space<vmem>>, vector<1x1x10240xf32>
    tpu.vector_store %arg3[%swap3A, %swap3A_8, %swap3A_9], %reshape3A {strides = array<i32>} : memref<1x1x10240xf32, #tpu.memory_space<vmem>>, vector<1x1x10240xf32>,
    %argmax3A = tpu.reduce_index %get3A_1 {axis = 1 : i32, kind = #tpu.reduction_kind<arg_max>} : vector<10240x100xf32> -> vector<10240xi32>
    %broadcast_in_dim3A_11 = vector.shape_cast %argmax3A : vector<10240xi32> to vector<10240x1xi32>
    %transpose3A_12 = tpu.transpose %broadcast_in_dim3A_11, [1, 0] : vector<10240x1xi32> -> vector<1x10240xi32>
    %reshape3A_13 = vector.shape_cast %transpose3A_12 : vector<1x10240xi32> to vector<1x1x10240xi32>
    %get3A_14 = arith.constant 0 : index
    %get3A_15 = arith.constant 0 : index
    %get3A_16 = arith.constant 0 : index
    %get3A_17 = vector.load %arg2[%get3A_14, %get3A_15, %get3A_16] : memref<1x1x10240xi32, #tpu.memory_space<vmem>>, vector<1x1x10240xi32>
    %eq3A = arith.cmpi eq, %reshape3A_13, %get3A_17 : vector<1x1x10240xi32>
    %convert_element_type3A = arith.extui %eq3A : vector<1x1x10240xi1> to vector<1x1x10240xi32>
    %convert_element_type3A_18 = arith.sitofp %convert_element_type3A : vector<1x1x10240xi32> to vector<1x1x10240xf32>
    %swap3A_19 = arith.constant 0 : index
    %swap3A_20 = arith.constant 0 : index
    %swap3A_21 = arith.constant 0 : index
    %swap3A_22 = vector.load %arg4[%swap3A_19, %swap3A_20, %swap3A_21] : memref<1x1x10240xf32, #tpu.memory_space<vmem>>, vector<1x1x10240xf32>
    tpu.vector_store %arg4[%swap3A_19, %swap3A_20, %swap3A_21], %convert_element_type3A_18 {strides = array<i32>} : memref<1x1x10240xf32, #tpu.memory_space<vmem>>, vector<1x1x10240xf32>,
    return
  }
  func.func @transform_0(%arg0: i32) -> (i32, i32) {
    %c0_i32 = arith.constant 0 : i32
    %c0_i32_0 = arith.constant 0 : i32
    return %arg0, %c0_i32 : i32, i32
  }
  func.func @transform_1(%arg0: i32) -> (i32, i32, i32) {
    %c0_i32 = arith.constant 0 : i32
    %c0_i32_0 = arith.constant 0 : i32
    %c0_i32_1 = arith.constant 0 : i32
    return %arg0, %c0_i32, %c0_i32_0 : i32, i32, i32
  }
  func.func @transform_2(%arg0: i32) -> (i32, i32, i32) {
    %c0_i32 = arith.constant 0 : i32
    %c0_i32_0 = arith.constant 0 : i32
    %c0_i32_1 = arith.constant 0 : i32
    return %arg0, %c0_i32, %c0_i32_0 : i32, i32, i32
  }
  func.func @transform_3(%arg0: i32) -> (i32, i32, i32) {
    %c0_i32 = arith.constant 0 : i32
    %c0_i32_0 = arith.constant 0 : i32
    %c0_i32_1 = arith.constant 0 : i32
    return %arg0, %c0_i32, %c0_i32_0 : i32, i32, i32
  }
}

</mosaic_0001>

<sc_bundles>
// kernel: kernel.4.cloned.1.call-start
scs
__scs_entry_jumppad:
0x0: {  	(pc) =	sbr.rel $0x88, $3  }
0x1: {  	(tag) =	ssettag $0x0;
	lr =	simm.s32 $0x1  }
0x2: {  	[smem:$0x3F9F] =	sst lr;
	_ =	strace $0xD0000000  }
0x3: {  	_ = 	snop  }
0x4: {  	_ = 	snop  }
0x5: {  	_ = 	snop  }
0x6: {  	_ = 	snop  }
0x7: {  	_ = 	snop  }
__scs_overlays_trampoline_lowered:
0x8: {  	[smem:$0x3FAE] =	sst s0  }
0x9: {  	[smem:$0x3FAF] =	sst s1  }
0xa: {  	[smem:$0x3FB0] =	sst s2  }
0xb: {  	[smem:$0x3FB1] =	sst s3  }
0xc: {  	[smem:$0x3FB2] =	sst s4  }
0xd: {  	[smem:$0x3FB3] =	sst s5  }
0xe: {  	[smem:$0x3FB4] =	sst s6  }
0xf: {  	[smem:$0x3FB5] =	sst s7  }
0x10: {  	[smem:$0x3FB6] =	sst s8  }
0x11: {  	[smem:$0x3FB7] =	sst s9;
	s0 =	simm.s32 @!p0 $0x0  }
0x12: {  	s1 =	sld [smem:$0x3F9D];
	s0 =	simm.s32 @p0 $0x1  }
0x13: {  	[smem:$0x3FB8] =	sst s0;
	s0 =	simm.s32 @!p1 $0x0  }
0x14: {  	s2 =	sld [smem:$0x3F9C];
	s0 =	simm.s32 @p1 $0x1  }
0x15: {  	[smem:$0x3FB9] =	sst s0;
	s0 =	simm.s32 @!p2 $0x0  }
0x16: {  	s3 =	sld [smem:$0x3FDB];
	s0 =	simm.s32 @p2 $0x1  }
0x17: {  	s4 =	simm.s32 $0x1BF5;
	[smem:$0x3FBB] =	sst s0  }
0x18: {  	s0 =	sld [smem:$0x3F9E];
	_ =	swait.ge [sflag:s4], $0x0  }
0x19: {  	s7 =	sld [smem:$0x3F9F]  }
0x1a: {  	s8 =	sadd.s32 $0xFFFFE003, lr  }
0x1b: {  	s9 =	sadd.s32 $0xFFFFFEF7, lr;
	s5 =	simm.s32 $0xFFFFFFFF;
	p2 =	slt.u32 s8, $0xFFFFF086  }
0x1c: {  	p1 =	slt.u32 s9, $0xF7A;
	s5 =	simm.s32 @!p2 $0x0  }
0x1d: {  	s5 =	simm.s32 @p1 $0x1;
	p0 =	seq.s32 s7, s2  }
0x1e: {  	s7 =	smul.u32 @!p0 $0xF7A, s2;
	p2 =	seq.s32 @!p0 s5, $0x0  }
0x1f: {  	s9 =	smul.u32 $0xF7A, s1;
	s8 =	simm.s32 @!p0 $0x1BF5;
	p2 =	por !p2, p0  }
0x20: {  	[sflag:s8] =	ssyncset.s32 @!p0 $0xFFFFF086;
	s6 =	sadd.s32 @!p0 s3, s7;
	s7 =	simm.s32 @!p0 $0x108  }
0x21: {  	s3 =	sadd.s32 s3, s9;
	s6 =	sadd.s32 @!p0 $0x88, s6;
	s7 =	simm.s32 @p2 $0x1082  }
0x22: {  	[simem:s7], [sflag:s8] =	dma.local @!p0 [hbm:s6], $0xF7A  }
0x23: {  	s9 =	sor.u32 $0xD0000000, s2;
	s6 =	simm.s32 $0x108;
	_ =	swait.ge @!p0 [sflag:s8], $0x0  }
0x24: {  	s3 =	sadd.s32 $0x88, s3;
	s6 =	simm.s32 @!p1 $0x1082;
	[sflag:s4] =	ssyncset.s32 $0xFFFFF086  }
0x25: {  	[simem:s6], [sflag:s4] =	dma.local [hbm:s3], $0xF7A  }
0x26: {  	[smem:$0x3F9F] =	sst s1;
	(tag) =	ssettag s2;
	_ =	strace s9  }
0x27: {  	s1 =	sld [smem:$0x3FAF]  }
0x28: {  	s2 =	sld [smem:$0x3FB0]  }
0x29: {  	s4 =	sld [smem:$0x3FB2]  }
0x2a: {  	p0 =	seq.s32 s5, $0x0;
	s5 =	sld [smem:$0x3FB3]  }
0x2b: {  	s6 =	sld [smem:$0x3FB4]  }
0x2c: {  	s7 =	sld [smem:$0x3FB5]  }
0x2d: {  	s3 =	simm.s32 $0x108;
	s8 =	sld [smem:$0x3FB6]  }
0x2e: {  	s3 =	simm.s32 @!p0 $0x1082;
	s9 =	sld [smem:$0x3FB7]  }
0x2f: {  	lr =	sadd.s32 s0, s3;
	s0 =	sld [smem:$0x3FAE]  }
0x30: {  	s3 =	sld [smem:$0x3FB1]  }
0x31: {  	[smem:$0x3FBA] =	sst s10  }
0x32: {  	s10 =	sld [smem:$0x3FB8];
	_ =	sdelay $0x3  }
0x33: {  	p0 =	seq.s32 s10, $0x1;
	s10 =	sld [smem:$0x3FBA];
	_ =	sdelay $0x3  }
0x34: {  	[smem:$0x3FBA] =	sst s10  }
0x35: {  	s10 =	sld [smem:$0x3FB9];
	_ =	sdelay $0x3  }
0x36: {  	p1 =	seq.s32 s10, $0x1;
	s10 =	sld [smem:$0x3FBA];
	_ =	sdelay $0x3  }
0x37: {  	[smem:$0x3FBA] =	sst s10  }
0x38: {  	s10 =	sld [smem:$0x3FBB]  }
0x39: {  	_ = 	snop;
	(pc) =	sbr.ind lr, $3  }
0x3a: {  	_ = 	snop  }
0x3b: {  	_ = 	snop  }
0x3c: {  	p2 =	seq.s32 s10, $0x1;
	s10 =	sld [smem:$0x3FBA]  }
0x3d: {  	_ =	shalt  }
0x3e: {  	_ =	shalt  }
0x3f: {  	_ =	shalt  }
0x40: {  	_ =	shalt  }
0x41: {  	_ =	shalt  }
0x42: {  	_ =	shalt  }
0x43: {  	_ =	shalt  }
0x44: {  	_ =	shalt  }
0x45: {  	_ =	shalt  }
0x46: {  	_ =	shalt  }
0x47: {  	_ =	shalt  }
0x48: {  	_ =	shalt  }
0x49: {  	_ =	shalt  }
0x4a: {  	_ =	shalt  }
0x4b: {  	_ =	shalt  }
0x4c: {  	_ =	shalt  }
0x4d: {  	_ =	shalt  }
0x4e: {  	_ =	shalt  }
0x4f: {  	_ =	shalt  }
0x50: {  	_ =	shalt  }
0x51: {  	_ =	shalt  }
0x52: {  	_ =	shalt  }
0x53: {  	_ =	shalt  }
0x54: {  	_ =	shalt  }
0x55: {  	_ =	shalt  }
0x56: {  	_ =	shalt  }
0x57: {  	_ =	shalt  }
0x58: {  	_ =	shalt  }
0x59: {  	_ =	shalt  }
0x5a: {  	_ =	shalt  }
0x5b: {  	_ =	shalt  }
0x5c: {  	_ =	shalt  }
0x5d: {  	_ =	shalt  }
0x5e: {  	_ =	shalt  }
0x5f: {  	_ =	shalt  }
0x60: {  	_ =	shalt  }
0x61: {  	_ =	shalt  }
0x62: {  	_ =	shalt  }
0x63: {  	_ =	shalt  }
0x64: {  	_ =	shalt  }
0x65: {  	_ =	shalt  }
0x66: {  	_ =	shalt  }
0x67: {  	_ =	shalt  }
0x68: {  	_ =	shalt  }
0x69: {  	_ =	shalt  }
0x6a: {  	_ =	shalt  }
0x6b: {  	_ =	shalt  }
0x6c: {  	_ =	shalt  }
0x6d: {  	_ =	shalt  }
0x6e: {  	_ =	shalt  }
0x6f: {  	_ =	shalt  }
0x70: {  	_ =	shalt  }
0x71: {  	_ =	shalt  }
0x72: {  	_ =	shalt  }
0x73: {  	_ =	shalt  }
0x74: {  	_ =	shalt  }
0x75: {  	_ =	shalt  }
0x76: {  	_ =	shalt  }
0x77: {  	_ =	shalt  }
0x78: {  	_ =	shalt  }
0x79: {  	_ =	shalt  }
0x7a: {  	_ =	shalt  }
0x7b: {  	_ =	shalt  }
0x7c: {  	_ =	shalt  }
0x7d: {  	_ =	shalt  }
0x7e: {  	_ =	shalt  }
0x7f: {  	_ =	shalt  }
0x80: {  	_ =	shalt  }
0x81: {  	_ =	shalt  }
0x82: {  	_ =	shalt  }
0x83: {  	_ =	shalt  }
0x84: {  	_ =	shalt  }
0x85: {  	_ =	shalt  }
0x86: {  	_ =	shalt  }
0x87: {  	_ =	shalt  }
.Lfunc_end0:
.L_simem_size_0:
called_computation_lowered:
.L_overlay_start_0:
0x88: {  	s2 =	sld [smem:$0x3FD9]  }
0x89: {  	s3 =	sld [smem:$0x3FFE];
	_ =	sdelay $0x1  }
0x8a: {  	s1 =	srdreg.scid  }
0x8b: {  	s0 =	sand.u32 $0x1, s1  }
0x8c: {  	s16 =	sshll.u32 s0, $0xA;
	s2 =	sadd.s32 s3, s2  }
0x8d: {  	s2 =	sadd.s32 s2, s16  }
0x8e: {  	[smem:$0x3FC6] =	sst s2  }
0x8f: {  	_ = 	snop  }
0x90: {  	(tm) =	ssettm $0x1  }
0x91: {  	s17 =	sld [smem:$0x3FFB];
	_ =	sdelay $0x3  }
0x92: {  	_ =	strace s17  }
0x93: {  	s2 =	sld [smem:$0x3FFC];
	_ =	sdelay $0x3  }
0x94: {  	_ =	strace s2  }
0x95: {  	s2 =	sld [smem:$0x3FFD];
	_ =	sdelay $0x3  }
0x96: {  	_ =	strace s2  }
0x97: {  	_ =	strace $0x8FFFFFFF  }
0x98: {  	s18 =	sld [smem:$0x3FDB];
	_ =	sdelay $0x1  }
0x99: {  	s19 =	simm.s32 $_scs_section_size  }
0x9a: {  	s4 =	simm.s32 $_size__tile_overlayer_lowered;
	s5 =	simm.s32 $_tile_overlayer_lowered  }
0x9b: {  	s22 =	simm.s32 $0x1BFF;
	s21 =	sshll.u32 s5, $0x1;
	s2 =	sadd.s32 s19, s18  }
0x9c: {  	s6 =	simm.s32 $0x0;
	s20 =	sshll.u32 s4, $0x1;
	s4 =	sadd.s32 s21, s2  }
0x9d: {  	[timem:s6], [sflag:s22] =	dma.local [hbm:s4], s20  }
0x9e: {  	_ =	swait.ge [sflag:s22], s20  }
0x9f: {  	s3 =	ssub.s32 $0x0, s20;
	[sflag:s22] =	ssyncset.done $0x0  }
0xa0: {  	[sflag:s22] =	ssyncadd.s32 s3;
	_ =	sdelay $0x1  }
0xa1: {  	s23 =	simm.s32 $0x1B8B  }
0xa2: {  	_ =	swait.ge [sflag:s23], $0x1  }
0xa3: {  	[sflag:s23] =	ssyncset.done $0x0  }
0xa4: {  	s25 =	simm.s32 $0x1B8E;
	s24 =	sld [smem:$0x3FFE];
	[sflag:s23] =	ssyncadd.s32 $0xFFFFFFFF  }
0xa5: {  	s26 =	simm.s32 $execute0_lowered;
	[smem:$0x3FD2] =	sst s25  }
0xa6: {  	s4 =	sshll.u32 s26, $0x1;
	_ =	strace $0x80000046;
	[dreg:$0x1] =	wrdreg $0xFFFFFFFF  }
0xa7: {  	s28 =	simm.s32 $_size_execute0_lowered;
	s2 =	sadd.s32 s2, s4;
	[dreg:$0x0] =	wrdreg $0x0  }
0xa8: {  	s4 =	sshll.u32 s28, $0x1;
	[dreg:$0x2] =	wrdreg s2  }
0xa9: {  	[dreg:$0x3] =	wrdreg s4  }
0xaa: {  	[dreg:$0x4] =	wrdreg $0xC0  }
0xab: {  	_ =	task [dreg:s6], $0x5FFFF  }
0xac: {  	[dreg:$0x1] =	wrdreg $0xFFFFFFFF  }
0xad: {  	[dreg:$0x0] =	wrdreg $0x60  }
0xae: {  	[dreg:$0x2] =	wrdreg s24  }
0xaf: {  	[dreg:$0x3] =	wrdreg $0x9  }
0xb0: {  	_ =	task.clear_ibuf [dreg:s6], $0x4FFFF;
	_ =	strace $0x90000046  }
0xb1: {  	s29 =	simm.s32 $0x9;
	_ =	strace $0x80000048  }
0xb2: {  	_ =	swait.ge [sflag:s29], $0x1  }
0xb3: {  	[sflag:s29] =	ssyncadd.s32 $0xFFFFFFFF  }
0xb4: {  	_ =	strace $0x90000048  }
0xb5: {  	_ =	sfence  }
0xb6: {  	s30 =	sld [smem:$0x0];
	_ =	sdelay $0x2  }
0xb7: {  	s31 =	sshll.u32 s1, $0xD;
	s1 =	sshrl.u32 s1, $0x2  }
0xb8: {  	s3 =	sand.u32 $0x4000, s31;
	s1 =	sadd.s32 s1, s30  }
0xb9: {  	s0 =	sor.u32 s3, s0;
	s1 =	sshll.u32 s1, $0x11  }
0xba: {  	s0 =	sor.u32 s1, s0  }
0xbb: {  	s0 =	sadd.s32 $0x8F2B, s0  }
0xbc: {  	[sflag:s0] =	ssyncadd.remote.s32 $0x1  }
0xbd: {  	_ =	sfence.sel $0xFFFF  }
0xbe: {  	[dreg:$0x0] =	wrdreg $0xFFFFFFFF;
	(pc) =	sbr.abs _section_cstart, $3  }
0xbf: {  	[dreg:$0x1] =	wrdreg $0xFFFFFFFF  }
0xc0: {  	_ =	task.clear_ibuf [dreg:s6], $0x2FFFF;
	_ =	strace $0x9FFFFFFF  }
0xc1: {  	(tm) =	ssettm $0x7FFFFFFF  }
tec
execute0_lowered:
.L_overlay_start_1:
0x0: {  	(tag) =	ssettag $0x1  }
0x1: {  	s1 =	srdreg.scid  }
0x2: {  	s0 =	stileid.u32;
	s4 =	rddreg [dreg:$0x0]  }
0x3: {  	s2 =	simm.s32 $0x0;
	s9 =	simm.s32 $0x7D00;
	s10 =	simm.s32 $0x7E00  }
0x4: {  	s11 =	simm.s32 $0x7F00;
	s12 =	simm.s32 $0x8000;
	s13 =	simm.s32 $0x0  }
0x5: {  	s3 =	sand.u32 $0x1, s1;
	s5 =	sshll.u32 s0, $0x1;
	s1 =	rddreg [dreg:$0x1]  }
0x6: {  	[smem:$0x7FF] =	sst s2;
	s5 =	sor.u32 s3, s5;
	s7 =	ssub.s32 $0x2, s3  }
0x7: {  	s6 =	smul.u32 $0x7D0, s5;
	s5 =	sshll.u32 s5, $0x6;
	s8 =	sshrl.u32 s7, $0x1  }
0x8: {  	_ =	strace $0x80000047;
	s5 =	sadd.s32 s5, s4;
	s31 =	ssub.s32 s7, s8  }
0x9: {  	v0 =	vimm.f32 $0.0e+00;
	v2 =	vlaneseq.u32;
	s7 =	simm.s32 $0x1;
	s8 =	simm.s32 $0x3E80;
	s3 =	sadd.s32 s4, s6  }
0xa: {  	v1 =	vimm.s32 $0x0;
	v3 =	vimm.f32 $1.000000000e+00;
	v2 =	vmul.u32 $0x10, v2;
	s5 =	sadd.s32 $0x1F400, s5;
	s6 =	smax.u32 s31, $0x1;
	s4 =	sadd.s32 $0xFA00, s3  }
.LBB2_1:
0xb: {  	[tilespmem:s2], [sflag:$0x1] =	stream.linear.gather [hbm4b:s4+s2], $0x3E80, $0x38;
	[tilespmem:$0x8200] =	vst v63  }
0xc: {  	_ =	swait.ge [sflag:s7], $0x3E80  }
0xd: {  	[sflag:s7] =	ssyncset.done $0x0  }
0xe: {  	[sflag:s7] =	ssyncadd.s32 $0xFFFFC180  }
0xf: {  	[tilespmem:s8], [sflag:$0x1] =	stream.linear.gather [hbm4b:s3+s2], $0x3E80, $0x38;
	[tilespmem:$0x8200] =	vst v63  }
0x10: {  	_ =	swait.ge [sflag:s7], $0x3E80  }
0x11: {  	[sflag:s7] =	ssyncset.done $0x0  }
0x12: {  	[sflag:s7] =	ssyncadd.s32 $0xFFFFC180  }
0x13: {  	[tilespmem:$0x7D00] =	vst v0  }
0x14: {  	[tilespmem:$0x7E00] =	vst v0  }
0x15: {  	[tilespmem:$0x7F00] =	vst v0  }
0x16: {  	[tilespmem:$0x7D10] =	vst v0  }
0x17: {  	[tilespmem:$0x7E10] =	vst v0  }
0x18: {  	[tilespmem:$0x7F10] =	vst v0  }
0x19: {  	[tilespmem:$0x7D20] =	vst v0  }
0x1a: {  	[tilespmem:$0x7E20] =	vst v0  }
0x1b: {  	[tilespmem:$0x7F20] =	vst v0  }
0x1c: {  	[tilespmem:$0x7D30] =	vst v0  }
0x1d: {  	[tilespmem:$0x7E30] =	vst v0  }
0x1e: {  	[tilespmem:$0x7F30] =	vst v0  }
0x1f: {  	[tilespmem:$0x7D40] =	vst v0  }
0x20: {  	[tilespmem:$0x7E40] =	vst v0  }
0x21: {  	[tilespmem:$0x7F40] =	vst v0  }
0x22: {  	[tilespmem:$0x7D50] =	vst v0  }
0x23: {  	[tilespmem:$0x7E50] =	vst v0  }
0x24: {  	[tilespmem:$0x7F50] =	vst v0  }
0x25: {  	[tilespmem:$0x7D60] =	vst v0  }
0x26: {  	[tilespmem:$0x7E60] =	vst v0  }
0x27: {  	[tilespmem:$0x7F60] =	vst v0  }
0x28: {  	[tilespmem:$0x7D70] =	vst v0  }
0x29: {  	[tilespmem:$0x7E70] =	vst v0  }
0x2a: {  	[tilespmem:$0x7F70] =	vst v0  }
0x2b: {  	[tilespmem:$0x7D80] =	vst v0  }
0x2c: {  	[tilespmem:$0x7E80] =	vst v0  }
0x2d: {  	[tilespmem:$0x7F80] =	vst v0  }
0x2e: {  	[tilespmem:$0x7D90] =	vst v0  }
0x2f: {  	[tilespmem:$0x7E90] =	vst v0  }
0x30: {  	[tilespmem:$0x7F90] =	vst v0  }
0x31: {  	[tilespmem:$0x7DA0] =	vst v0  }
0x32: {  	[tilespmem:$0x7EA0] =	vst v0  }
0x33: {  	[tilespmem:$0x7FA0] =	vst v0  }
0x34: {  	[tilespmem:$0x7DB0] =	vst v0  }
0x35: {  	[tilespmem:$0x7EB0] =	vst v0  }
0x36: {  	[tilespmem:$0x7FB0] =	vst v0  }
0x37: {  	[tilespmem:$0x7DC0] =	vst v0  }
0x38: {  	[tilespmem:$0x7EC0] =	vst v0  }
0x39: {  	[tilespmem:$0x7FC0] =	vst v0  }
0x3a: {  	[tilespmem:$0x7DD0] =	vst v0  }
0x3b: {  	[tilespmem:$0x7ED0] =	vst v0  }
0x3c: {  	[tilespmem:$0x7FD0] =	vst v0  }
0x3d: {  	[tilespmem:$0x7DE0] =	vst v0  }
0x3e: {  	[tilespmem:$0x7EE0] =	vst v0  }
0x3f: {  	[tilespmem:$0x7FE0] =	vst v0  }
0x40: {  	[tilespmem:$0x7DF0] =	vst v0  }
0x41: {  	[tilespmem:$0x7EF0] =	vst v0  }
0x42: {  	s14 =	simm.s32 $0x0;
	[tilespmem:$0x7FF0] =	vst v0  }
0x43: {  	v5 =	vld [tilespmem:s14+$0x0]  }
0x44: {  	v4 =	vld [tilespmem:s14+$0x3E80];
	s14 =	simm.s32 $0x40  }
.LBB2_2:
0x45: {  	p0 =	sne.s32 s14, $0xF9C0;
	_ =	sdelay $0x2  }
0x46: {  	v6 =	vmul.f32 $1.500000000e+01, v5;
	_ =	sdelay $0x1  }
0x47: {  	v7 =	vtrunc.f32 v6  }
0x48: {  	v8 =	vcvt.f32.s32 v7;
	vm0 =	veq.f32 v6, v7  }
0x49: {  	v6 =	vsel vm0, $0xFFFFFFFF, v1  }
0x4a: {  	v6 =	vadd.s32 v8, v6  }
0x4b: {  	vm0 =	vgt.s32 v6, $0x0  }
0x4c: {  	v6 =	vnsel vm0, $0x0, v6  }
0x4d: {  	v6 =	vmin.u32 v6, $0xF  }
0x4e: {  	v6 =	vor.u32 v2, v6;
	_ =	sdelay $0x4  }
.Ltmp0:
0x4f: {  	[tilespmem:v6+s9+$0x0] =	vst.idx.add.f32.msk $0xffff, v3;
	(pc) =	sbr.rel @p0 .LBB2_2-.Ltmp0, $4  }
0x50: {  	[tilespmem:v6+s10+$0x0] =	vst.idx.add.f32.msk $0xffff, v5  }
0x51: {  	s15 =	sshra.s32 s14, $0x2;
	[tilespmem:v6+s11+$0x0] =	vst.idx.add.f32.msk $0xffff, v4  }
0x52: {  	v5 =	vld [tilespmem:s15+$0x0]  }
0x53: {  	s14 =	sadd.s32 $0x40, s14;
	v4 =	vld [tilespmem:s15+$0x3E80]  }
0x54: {  	_ =	sdelay $0x2  }
0x55: {  	v6 =	vmul.f32 $1.500000000e+01, v5;
	_ =	sdelay $0x1  }
0x56: {  	v7 =	vtrunc.f32 v6  }
0x57: {  	v8 =	vcvt.f32.s32 v7;
	vm0 =	veq.f32 v6, v7  }
0x58: {  	v6 =	vsel vm0, $0xFFFFFFFF, v1  }
0x59: {  	v6 =	vadd.s32 v8, v6  }
0x5a: {  	vm15 =	vgt.s32 v6, $0x0  }
0x5b: {  	v6 =	vnsel vm15, $0x0, v6  }
0x5c: {  	v6 =	vmin.u32 v6, $0xF  }
0x5d: {  	v6 =	vor.u32 v2, v6;
	_ =	sdelay $0x4  }
0x5e: {  	[tilespmem:v6+s9+$0x0] =	vst.idx.add.f32.msk $0xffff, v3  }
0x5f: {  	[tilespmem:v6+s10+$0x0] =	vst.idx.add.f32.msk $0xffff, v5  }
0x60: {  	[tilespmem:v6+s11+$0x0] =	vst.idx.add.f32.msk $0xffff, v4  }
0x61: {  	v4 =	vld [tilespmem:$0x7D00]  }
0x62: {  	v5 =	vld [tilespmem:$0x7E00]  }
0x63: {  	v6 =	vld [tilespmem:$0x7F00]  }
0x64: {  	v36 =	vld [tilespmem:$0x7D10]  }
0x65: {  	v37 =	vld [tilespmem:$0x7E10]  }
0x66: {  	v9 =	vld [tilespmem:$0x7F10]  }
0x67: {  	v10 =	vld [tilespmem:$0x7D20]  }
0x68: {  	v11 =	vld [tilespmem:$0x7E20]  }
0x69: {  	v12 =	vld [tilespmem:$0x7F20]  }
0x6a: {  	v13 =	vld [tilespmem:$0x7D30]  }
0x6b: {  	v14 =	vld [tilespmem:$0x7E30]  }
0x6c: {  	v15 =	vld [tilespmem:$0x7F30]  }
0x6d: {  	v16 =	vld [tilespmem:$0x7D40]  }
0x6e: {  	v17 =	vld [tilespmem:$0x7E40]  }
0x6f: {  	v18 =	vld [tilespmem:$0x7F40]  }
0x70: {  	v19 =	vld [tilespmem:$0x7D50]  }
0x71: {  	v20 =	vld [tilespmem:$0x7E50]  }
0x72: {  	v21 =	vld [tilespmem:$0x7F50]  }
0x73: {  	v22 =	vld [tilespmem:$0x7D60]  }
0x74: {  	v23 =	vld [tilespmem:$0x7E60]  }
0x75: {  	v24 =	vld [tilespmem:$0x7F60]  }
0x76: {  	v25 =	vld [tilespmem:$0x7D70]  }
0x77: {  	v38 =	vld [tilespmem:$0x7E70];
	v4 =	vadd.f32 v36, v4  }
0x78: {  	v39 =	vld [tilespmem:$0x7F70];
	v5 =	vadd.f32 v37, v5  }
0x79: {  	v40 =	vld [tilespmem:$0x7D80];
	v6 =	vadd.f32 v9, v6;
	v4 =	vadd.f32 v10, v4  }
0x7a: {  	v41 =	vld [tilespmem:$0x7E80];
	v5 =	vadd.f32 v11, v5  }
0x7b: {  	v42 =	vld [tilespmem:$0x7F80];
	v6 =	vadd.f32 v12, v6;
	v4 =	vadd.f32 v13, v4  }
0x7c: {  	v43 =	vld [tilespmem:$0x7D90];
	v5 =	vadd.f32 v14, v5  }
0x7d: {  	v44 =	vld [tilespmem:$0x7E90];
	v6 =	vadd.f32 v15, v6;
	v4 =	vadd.f32 v16, v4  }
0x7e: {  	v45 =	vld [tilespmem:$0x7F90];
	v5 =	vadd.f32 v17, v5  }
0x7f: {  	v46 =	vld [tilespmem:$0x7DA0];
	v6 =	vadd.f32 v18, v6;
	v4 =	vadd.f32 v19, v4  }
0x80: {  	v47 =	vld [tilespmem:$0x7EA0];
	v5 =	vadd.f32 v20, v5  }
0x81: {  	v48 =	vld [tilespmem:$0x7FA0];
	v6 =	vadd.f32 v21, v6;
	v4 =	vadd.f32 v22, v4  }
0x82: {  	v49 =	vld [tilespmem:$0x7DB0];
	v5 =	vadd.f32 v23, v5  }
0x83: {  	v50 =	vld [tilespmem:$0x7EB0];
	v6 =	vadd.f32 v24, v6;
	v4 =	vadd.f32 v25, v4  }
0x84: {  	v51 =	vld [tilespmem:$0x7FB0];
	v5 =	vadd.f32 v38, v5  }
0x85: {  	v52 =	vld [tilespmem:$0x7DC0];
	v6 =	vadd.f32 v39, v6;
	v4 =	vadd.f32 v40, v4  }
0x86: {  	v53 =	vld [tilespmem:$0x7EC0];
	v5 =	vadd.f32 v41, v5  }
0x87: {  	v54 =	vld [tilespmem:$0x7FC0];
	v6 =	vadd.f32 v42, v6;
	v4 =	vadd.f32 v43, v4  }
0x88: {  	v55 =	vld [tilespmem:$0x7DD0];
	v5 =	vadd.f32 v44, v5  }
0x89: {  	v56 =	vld [tilespmem:$0x7ED0];
	v6 =	vadd.f32 v45, v6;
	v4 =	vadd.f32 v46, v4  }
0x8a: {  	v57 =	vld [tilespmem:$0x7FD0];
	v5 =	vadd.f32 v47, v5  }
0x8b: {  	v58 =	vld [tilespmem:$0x7DE0];
	v6 =	vadd.f32 v48, v6;
	v4 =	vadd.f32 v49, v4  }
0x8c: {  	v59 =	vld [tilespmem:$0x7EE0];
	v5 =	vadd.f32 v50, v5  }
0x8d: {  	v60 =	vld [tilespmem:$0x7FE0];
	v6 =	vadd.f32 v51, v6;
	v4 =	vadd.f32 v52, v4  }
0x8e: {  	v61 =	vld [tilespmem:$0x7DF0];
	v5 =	vadd.f32 v53, v5  }
0x8f: {  	v62 =	vld [tilespmem:$0x7EF0];
	v6 =	vadd.f32 v54, v6;
	v4 =	vadd.f32 v55, v4  }
0x90: {  	v63 =	vld [tilespmem:$0x7FF0];
	v5 =	vadd.f32 v56, v5  }
0x91: {  	v6 =	vadd.f32 v57, v6;
	v4 =	vadd.f32 v58, v4  }
0x92: {  	v5 =	vadd.f32 v59, v5  }
0x93: {  	v6 =	vadd.f32 v60, v6;
	v4 =	vadd.f32 v61, v4  }
0x94: {  	v5 =	vadd.f32 v62, v5  }
0x95: {  	s13 =	sadd.s32 $0x1, s13;
	v6 =	vadd.f32 v63, v6;
	[tilespmem:$0x8000] =	vst v4  }
0x96: {  	p0 =	sne.s32 s13, s6;
	[tilespmem:$0x8080] =	vst v5  }
.Ltmp1:
0x97: {  	[tilespmem:$0x8100] =	vst v6;
	(pc) =	sbr.rel @p0 .LBB2_1-.Ltmp1, $4  }
0x98: {  	[hbm4b:s5+s2] =	stream.linear.scatter [tilespmem:s12], [sflag:$0x1], $0x180, $0x38;
	[tilespmem:$0x8200] =	vst v63  }
0x99: {  	_ =	swait.ge [sflag:s7], $0x180  }
0x9a: {  	[sflag:s7] =	ssyncset.done $0x0  }
0x9b: {  	[sflag:s7] =	ssyncadd.s32 $0xFFFFFE80  }
0x9c: {  	_ =	sfence.sel $0x180000  }
0x9d: {  	[bflag:$0x0] =	sbarrier.arrive $0xFFFF  }
0x9e: {  	p0 =	sne.s32 s0, $0x0;
	_ =	strace $0x90000047  }
0x9f: {  	s0 =	sadd.s32 @!p0 $0x100000, s1;
	[bflag:$0x2] =	sbarrier.arrive $0xFFFF  }
0xa0: {  	[sflag:s0] =	ssyncadd.tile.s32 @!p0 $0x1;
	_ =	shalt  }
.Lfunc_end2:
_tile_overlayer_lowered:
.L_overlay_start_2:
0xa1: {  	(tag) =	ssettag $0x2  }
0xa2: {  	s0 =	rddreg [dreg:$0x0];
	s2 =	stileid.u32  }
0xa3: {  	s1 =	rddreg [dreg:$0x1];
	p0 =	sne.s32 s2, $0x0  }
0xa4: {  	s3 =	rddreg [dreg:$0x2];
	[bflag:$0x3] =	sbarrier.arrive $0xFFFF;
	s2 =	simm.s32 @!p0 $0x1C01  }
0xa5: {  	[timem:s3], [sflag:s2] =	dma.local @!p0 [hbm:s0], s1  }
0xa6: {  	s0 =	simm.s32 @!p0 $0x1  }
0xa7: {  	_ =	swait.ge @!p0 [sflag:s0], s1  }
0xa8: {  	s1 =	ssub.s32 @!p0 $0x0, s1;
	[sflag:s0] =	ssyncset.done @!p0 $0x0  }
0xa9: {  	[sflag:s0] =	ssyncadd.s32 @!p0 s1  }
0xaa: {  	[bflag:$0x3] =	sbarrier.arrive $0xFFFF  }
0xab: {  	_ =	shalt  }

</sc_bundles>
